<compile_context>
chip_gen: v7x
topology: tpu7x:2x2x1
jax: 0.10.2.dev20260603
libtpu: 0.0.44.dev20260713+nightly
codegen_flags: <defaults>
</compile_context>

<pallas_src>
import functools

import numpy as np
import jax
import jax.numpy as jnp
from jax import lax
from jax.experimental import pallas as pl
from jax.experimental.pallas import tpu as pltpu
from jax.experimental.pallas import tpu_sc as plsc

POS_VOCAB = 128


def _positions_np(n, vocab_size):
    lin = np.linspace(0.0, 1.0, n + 1, dtype=np.float32)
    intervals = np.stack([lin[:-1], lin[1:]]).T
    intervals = (intervals * vocab_size).astype(np.int32)
    intervals[:, 1] -= 1
    return np.round(intervals.astype(np.float32).mean(axis=-1)).astype(np.int32)


@functools.lru_cache(maxsize=None)
def _build_sc_gather(n_h, n_w, d, h_base, h_stride, w_base, w_stride):
    mesh = plsc.ScalarSubcoreMesh(axis_name="c")

    @functools.partial(
        pl.kernel,
        mesh=mesh,
        out_type=(
            jax.ShapeDtypeStruct((n_h, 1, d), jnp.float32),
            jax.ShapeDtypeStruct((n_w, 1, d), jnp.float32),
        ),
    )
    def gather_kernel(htab, wtab, hsel, wsel):
        cid = lax.axis_index("c")

        @pl.when(cid == 0)
        def _():
            pltpu.sync_copy(htab.at[:, pl.ds(h_base, 1)], hsel)

        @pl.when(cid == 1)
        def _():
            pltpu.sync_copy(wtab.at[:, pl.ds(w_base, 1)], wsel)

    return gather_kernel


def _tc_add_body(hsel_ref, wsel_ref, out_ref):
    out_ref[...] = hsel_ref[...][:, None, :] + wsel_ref[...][None, :, :]


@functools.lru_cache(maxsize=None)
def _build_tc_add(n_h, n_w, d):
    return pl.pallas_call(
        _tc_add_body,
        out_shape=jax.ShapeDtypeStruct((n_h, n_w, d), jnp.float32),
    )


def kernel(x, height_table, width_table):
    n_h, n_w = x.shape[1], x.shape[2]
    d = height_table.shape[1]
    hpos = _positions_np(n_h, POS_VOCAB)
    wpos = _positions_np(n_w, POS_VOCAB)
    h_base, h_stride = int(hpos[0]), int(hpos[1] - hpos[0]) if n_h > 1 else 0
    w_base, w_stride = int(wpos[0]), int(wpos[1] - wpos[0]) if n_w > 1 else 0
    assert np.array_equal(hpos, h_base + h_stride * np.arange(n_h))
    assert np.array_equal(wpos, w_base + w_stride * np.arange(n_w))
    vocab = height_table.shape[0]
    assert h_stride == vocab // n_h and w_stride == vocab // n_w
    hsel, wsel = _build_sc_gather(n_h, n_w, d, h_base, h_stride, w_base, w_stride)(
        height_table.reshape(n_h, h_stride, d), width_table.reshape(n_w, w_stride, d)
    )
    return _build_tc_add(n_h, n_w, d)(hsel.reshape(n_h, d), wsel.reshape(n_w, d))

# --- scband reference (transcript-rebuilt; emitter-appended) ---
"""Pipeline reference for scband-patch-pos-encoding-17119739642236 (READ-ONLY COPY).

The authoritative reference and input builder live on the scoring server;
editing this copy changes nothing except your own understanding.
"""

import jax, jax.numpy as jnp
import numpy as np

POSITION_VOCAB_SIZE = 128
EMBED_DIM = 768


def setup_inputs(seed: int = 0) -> dict:
    key = jax.random.key(seed)
    k1, k2, k3 = jax.random.split(key, 3)
    x = jax.random.normal(k1, (8, 32, 32, EMBED_DIM), dtype=jnp.float32)
    height_table = jax.random.normal(k2, (POSITION_VOCAB_SIZE, EMBED_DIM), dtype=jnp.float32) * 0.02
    width_table = jax.random.normal(k3, (POSITION_VOCAB_SIZE, EMBED_DIM), dtype=jnp.float32) * 0.02
    return {"x": x, "height_table": height_table, "width_table": width_table}


def _positions(n, vocab_size):
    lin = jnp.linspace(0.0, 1.0, n + 1)
    intervals = jnp.stack([lin[:-1], lin[1:]]).T  # [n, 2]
    intervals = (intervals * vocab_size).astype(jnp.int32)
    # eval path: intervals[:, 1] -= 1, then round(mean)
    intervals = intervals.at[:, 1].add(-1)
    pos = jnp.round(intervals.astype(jnp.float32).mean(axis=-1)).astype(jnp.int32)
    return pos


def reference(x, height_table, width_table):
    n_height = x.shape[1]
    n_width = x.shape[2]
    h_positions = _positions(n_height, POSITION_VOCAB_SIZE)
    w_positions = _positions(n_width, POSITION_VOCAB_SIZE)
    h_position_embed = jnp.take(height_table, h_positions, axis=0)  # [n_h, d]
    w_position_embed = jnp.take(width_table, w_positions, axis=0)   # [n_w, d]
    h_position_embed = jnp.repeat(h_position_embed[:, None, :], n_width, axis=1)
    w_position_embed = jnp.repeat(w_position_embed[None, :, :], n_height, axis=0)
    position_embed = h_position_embed + w_position_embed  # [n_h, n_w, d]
    return position_embed

if __name__ == "__main__":
    import jax
    _d = setup_inputs()
    print(jax.jit(kernel)(*tuple(_d.values())))

</pallas_src>

<mosaic_0001>
#map = affine_map<(d0) -> (0, 0, 0)>
module attributes {stable_mosaic.version = 14 : i64} {
  func.func @gather_kernel(%arg0: i32, %arg1: memref<32x4x768xf32, #tpu.memory_space<hbm>>, %arg2: memref<32x4x768xf32, #tpu.memory_space<hbm>>, %arg3: memref<32x1x768xf32, #tpu.memory_space<hbm>>, %arg4: memref<32x1x768xf32, #tpu.memory_space<hbm>>) attributes {dimension_semantics = [#tpu.dimension_semantics<core_parallel>], iteration_bounds = array<i64: 2>, scalar_prefetch = 0 : i64, scratch_operands = 0 : i64, tpu.core_type = #tpu.core_type<sc_scalar_subcore>, window_params = [{transform_indices = #map}, {transform_indices = #map}, {transform_indices = #map}, {transform_indices = #map}]} {
    %eq3A = arith.constant 0 : i32
    %eq3A_0 = arith.cmpi eq, %arg0, %eq3A : i32
    %convert_element_type3A = arith.extui %eq3A_0 : i1 to i32
    %cond3A = arith.constant 0 : i32
    %cond3A_1 = arith.cmpi ne, %convert_element_type3A, %cond3A : i32
    scf.if %cond3A_1 {
      "tpu.region"() ({
        %run_scoped3A = tpu.sem_alloc : memref<!tpu.dma_semaphore, #tpu.memory_space<semaphore_mem>>
        %dma_start3A = arith.constant 0 : i32
        %dma_start3A_7 = arith.constant 2 : i32
        %dma_start3A_8 = arith.constant 0 : i32
        %dma_start3A_9 = tpu.memref_slice %arg1[%dma_start3A, %dma_start3A_7, %dma_start3A_8] : memref<32x4x768xf32, #tpu.memory_space<hbm>> -> memref<32x1x768xf32, #tpu.memory_space<hbm>>
        tpu.enqueue_dma source(%dma_start3A_9 : memref<32x1x768xf32, #tpu.memory_space<hbm>>) target(%arg3 : memref<32x1x768xf32, #tpu.memory_space<hbm>>) target_semaphore(%run_scoped3A : memref<!tpu.dma_semaphore, #tpu.memory_space<semaphore_mem>>)
        %dma_wait3A = arith.constant 0 : i32
        %dma_wait3A_10 = arith.constant 2 : i32
        %dma_wait3A_11 = arith.constant 0 : i32
        %dma_wait3A_12 = tpu.memref_slice %arg1[%dma_wait3A, %dma_wait3A_10, %dma_wait3A_11] : memref<32x4x768xf32, #tpu.memory_space<hbm>> -> memref<32x1x768xf32, #tpu.memory_space<hbm>>
        tpu.wait_dma2 semaphore(%run_scoped3A : memref<!tpu.dma_semaphore, #tpu.memory_space<semaphore_mem>>) src(%dma_wait3A_12 : memref<32x1x768xf32, #tpu.memory_space<hbm>>) dst(%arg3 : memref<32x1x768xf32, #tpu.memory_space<hbm>>)
        tpu.yield
      }) : () -> ()
    } else {
    }
    %eq3A_2 = arith.constant 1 : i32
    %eq3A_3 = arith.cmpi eq, %arg0, %eq3A_2 : i32
    %convert_element_type3A_4 = arith.extui %eq3A_3 : i1 to i32
    %cond3A_5 = arith.constant 0 : i32
    %cond3A_6 = arith.cmpi ne, %convert_element_type3A_4, %cond3A_5 : i32
    scf.if %cond3A_6 {
      "tpu.region"() ({
        %run_scoped3A = tpu.sem_alloc : memref<!tpu.dma_semaphore, #tpu.memory_space<semaphore_mem>>
        %dma_start3A = arith.constant 0 : i32
        %dma_start3A_7 = arith.constant 2 : i32
        %dma_start3A_8 = arith.constant 0 : i32
        %dma_start3A_9 = tpu.memref_slice %arg2[%dma_start3A, %dma_start3A_7, %dma_start3A_8] : memref<32x4x768xf32, #tpu.memory_space<hbm>> -> memref<32x1x768xf32, #tpu.memory_space<hbm>>
        tpu.enqueue_dma source(%dma_start3A_9 : memref<32x1x768xf32, #tpu.memory_space<hbm>>) target(%arg4 : memref<32x1x768xf32, #tpu.memory_space<hbm>>) target_semaphore(%run_scoped3A : memref<!tpu.dma_semaphore, #tpu.memory_space<semaphore_mem>>)
        %dma_wait3A = arith.constant 0 : i32
        %dma_wait3A_10 = arith.constant 2 : i32
        %dma_wait3A_11 = arith.constant 0 : i32
        %dma_wait3A_12 = tpu.memref_slice %arg2[%dma_wait3A, %dma_wait3A_10, %dma_wait3A_11] : memref<32x4x768xf32, #tpu.memory_space<hbm>> -> memref<32x1x768xf32, #tpu.memory_space<hbm>>
        tpu.wait_dma2 semaphore(%run_scoped3A : memref<!tpu.dma_semaphore, #tpu.memory_space<semaphore_mem>>) src(%dma_wait3A_12 : memref<32x1x768xf32, #tpu.memory_space<hbm>>) dst(%arg4 : memref<32x1x768xf32, #tpu.memory_space<hbm>>)
        tpu.yield
      }) : () -> ()
    } else {
    }
    return
  }
}

module attributes {stable_mosaic.version = 14 : i64} {
  func.func @_tc_add_body(%arg0: memref<32x768xf32, #tpu.memory_space<vmem>>, %arg1: memref<32x768xf32, #tpu.memory_space<vmem>>, %arg2: memref<32x32x768xf32, #tpu.memory_space<vmem>>) attributes {dimension_semantics = [], scalar_prefetch = 0 : i64, scratch_operands = 0 : i64, tpu.core_type = #tpu.core_type<tc>} {
    %get3A = arith.constant 0 : index
    %get3A_0 = arith.constant 0 : index
    %get3A_1 = vector.load %arg0[%get3A, %get3A_0] : memref<32x768xf32, #tpu.memory_space<vmem>>, vector<32x768xf32>
    %broadcast_in_dim3A = vector.shape_cast %get3A_1 : vector<32x768xf32> to vector<32x1x768xf32>
    %get3A_2 = arith.constant 0 : index
    %get3A_3 = arith.constant 0 : index
    %get3A_4 = vector.load %arg1[%get3A_2, %get3A_3] : memref<32x768xf32, #tpu.memory_space<vmem>>, vector<32x768xf32>
    %broadcast_in_dim3A_5 = vector.shape_cast %get3A_4 : vector<32x768xf32> to vector<1x32x768xf32>
    %add3A = vector.broadcast %broadcast_in_dim3A : vector<32x1x768xf32> to vector<32x32x768xf32>
    %add3A_6 = vector.broadcast %broadcast_in_dim3A_5 : vector<1x32x768xf32> to vector<32x32x768xf32>
    %add3A_7 = arith.addf %add3A, %add3A_6 : vector<32x32x768xf32>
    %swap3A = arith.constant 0 : index
    %swap3A_8 = arith.constant 0 : index
    %swap3A_9 = arith.constant 0 : index
    %swap3A_10 = vector.load %arg2[%swap3A, %swap3A_8, %swap3A_9] : memref<32x32x768xf32, #tpu.memory_space<vmem>>, vector<32x32x768xf32>
    tpu.vector_store %arg2[%swap3A, %swap3A_8, %swap3A_9], %add3A_7 {strides = array<i32>} : memref<32x32x768xf32, #tpu.memory_space<vmem>>, vector<32x32x768xf32>,
    return
  }
}

</mosaic_0001>

<sc_bundles>
// kernel: kernel.4.cloned.1.call-start
scs
__scs_entry_jumppad:
0x0: {  	(pc) =	sbr.rel $0x88, $3  }
0x1: {  	(tag) =	ssettag $0x0;
	lr =	simm.s32 $0x1  }
0x2: {  	[smem:$0x3F9F] =	sst lr;
	_ =	strace $0xD0000000  }
0x3: {  	_ = 	snop  }
0x4: {  	_ = 	snop  }
0x5: {  	_ = 	snop  }
0x6: {  	_ = 	snop  }
0x7: {  	_ = 	snop  }
__scs_overlays_trampoline_lowered:
0x8: {  	[smem:$0x3FAE] =	sst s0  }
0x9: {  	[smem:$0x3FAF] =	sst s1  }
0xa: {  	[smem:$0x3FB0] =	sst s2  }
0xb: {  	[smem:$0x3FB1] =	sst s3  }
0xc: {  	[smem:$0x3FB2] =	sst s4  }
0xd: {  	[smem:$0x3FB3] =	sst s5  }
0xe: {  	[smem:$0x3FB4] =	sst s6  }
0xf: {  	[smem:$0x3FB5] =	sst s7  }
0x10: {  	[smem:$0x3FB6] =	sst s8  }
0x11: {  	[smem:$0x3FB7] =	sst s9;
	s0 =	simm.s32 @!p0 $0x0  }
0x12: {  	s1 =	sld [smem:$0x3F9D];
	s0 =	simm.s32 @p0 $0x1  }
0x13: {  	[smem:$0x3FB8] =	sst s0;
	s0 =	simm.s32 @!p1 $0x0  }
0x14: {  	s2 =	sld [smem:$0x3F9C];
	s0 =	simm.s32 @p1 $0x1  }
0x15: {  	[smem:$0x3FB9] =	sst s0;
	s0 =	simm.s32 @!p2 $0x0  }
0x16: {  	s3 =	sld [smem:$0x3FDB];
	s0 =	simm.s32 @p2 $0x1  }
0x17: {  	s4 =	simm.s32 $0x1BF5;
	[smem:$0x3FBB] =	sst s0  }
0x18: {  	s0 =	sld [smem:$0x3F9E];
	_ =	swait.ge [sflag:s4], $0x0  }
0x19: {  	s7 =	sld [smem:$0x3F9F]  }
0x1a: {  	s8 =	sadd.s32 $0xFFFFE003, lr  }
0x1b: {  	s9 =	sadd.s32 $0xFFFFFEF7, lr;
	s5 =	simm.s32 $0xFFFFFFFF;
	p2 =	slt.u32 s8, $0xFFFFF086  }
0x1c: {  	p1 =	slt.u32 s9, $0xF7A;
	s5 =	simm.s32 @!p2 $0x0  }
0x1d: {  	s5 =	simm.s32 @p1 $0x1;
	p0 =	seq.s32 s7, s2  }
0x1e: {  	s7 =	smul.u32 @!p0 $0xF7A, s2;
	p2 =	seq.s32 @!p0 s5, $0x0  }
0x1f: {  	s9 =	smul.u32 $0xF7A, s1;
	s8 =	simm.s32 @!p0 $0x1BF5;
	p2 =	por !p2, p0  }
0x20: {  	[sflag:s8] =	ssyncset.s32 @!p0 $0xFFFFF086;
	s6 =	sadd.s32 @!p0 s3, s7;
	s7 =	simm.s32 @!p0 $0x108  }
0x21: {  	s3 =	sadd.s32 s3, s9;
	s6 =	sadd.s32 @!p0 $0x88, s6;
	s7 =	simm.s32 @p2 $0x1082  }
0x22: {  	[simem:s7], [sflag:s8] =	dma.local @!p0 [hbm:s6], $0xF7A  }
0x23: {  	s9 =	sor.u32 $0xD0000000, s2;
	s6 =	simm.s32 $0x108;
	_ =	swait.ge @!p0 [sflag:s8], $0x0  }
0x24: {  	s3 =	sadd.s32 $0x88, s3;
	s6 =	simm.s32 @!p1 $0x1082;
	[sflag:s4] =	ssyncset.s32 $0xFFFFF086  }
0x25: {  	[simem:s6], [sflag:s4] =	dma.local [hbm:s3], $0xF7A  }
0x26: {  	[smem:$0x3F9F] =	sst s1;
	(tag) =	ssettag s2;
	_ =	strace s9  }
0x27: {  	s1 =	sld [smem:$0x3FAF]  }
0x28: {  	s2 =	sld [smem:$0x3FB0]  }
0x29: {  	s4 =	sld [smem:$0x3FB2]  }
0x2a: {  	p0 =	seq.s32 s5, $0x0;
	s5 =	sld [smem:$0x3FB3]  }
0x2b: {  	s6 =	sld [smem:$0x3FB4]  }
0x2c: {  	s7 =	sld [smem:$0x3FB5]  }
0x2d: {  	s3 =	simm.s32 $0x108;
	s8 =	sld [smem:$0x3FB6]  }
0x2e: {  	s3 =	simm.s32 @!p0 $0x1082;
	s9 =	sld [smem:$0x3FB7]  }
0x2f: {  	lr =	sadd.s32 s0, s3;
	s0 =	sld [smem:$0x3FAE]  }
0x30: {  	s3 =	sld [smem:$0x3FB1]  }
0x31: {  	[smem:$0x3FBA] =	sst s10  }
0x32: {  	s10 =	sld [smem:$0x3FB8];
	_ =	sdelay $0x3  }
0x33: {  	p0 =	seq.s32 s10, $0x1;
	s10 =	sld [smem:$0x3FBA];
	_ =	sdelay $0x3  }
0x34: {  	[smem:$0x3FBA] =	sst s10  }
0x35: {  	s10 =	sld [smem:$0x3FB9];
	_ =	sdelay $0x3  }
0x36: {  	p1 =	seq.s32 s10, $0x1;
	s10 =	sld [smem:$0x3FBA];
	_ =	sdelay $0x3  }
0x37: {  	[smem:$0x3FBA] =	sst s10  }
0x38: {  	s10 =	sld [smem:$0x3FBB]  }
0x39: {  	_ = 	snop;
	(pc) =	sbr.ind lr, $3  }
0x3a: {  	_ = 	snop  }
0x3b: {  	_ = 	snop  }
0x3c: {  	p2 =	seq.s32 s10, $0x1;
	s10 =	sld [smem:$0x3FBA]  }
0x3d: {  	_ =	shalt  }
0x3e: {  	_ =	shalt  }
0x3f: {  	_ =	shalt  }
0x40: {  	_ =	shalt  }
0x41: {  	_ =	shalt  }
0x42: {  	_ =	shalt  }
0x43: {  	_ =	shalt  }
0x44: {  	_ =	shalt  }
0x45: {  	_ =	shalt  }
0x46: {  	_ =	shalt  }
0x47: {  	_ =	shalt  }
0x48: {  	_ =	shalt  }
0x49: {  	_ =	shalt  }
0x4a: {  	_ =	shalt  }
0x4b: {  	_ =	shalt  }
0x4c: {  	_ =	shalt  }
0x4d: {  	_ =	shalt  }
0x4e: {  	_ =	shalt  }
0x4f: {  	_ =	shalt  }
0x50: {  	_ =	shalt  }
0x51: {  	_ =	shalt  }
0x52: {  	_ =	shalt  }
0x53: {  	_ =	shalt  }
0x54: {  	_ =	shalt  }
0x55: {  	_ =	shalt  }
0x56: {  	_ =	shalt  }
0x57: {  	_ =	shalt  }
0x58: {  	_ =	shalt  }
0x59: {  	_ =	shalt  }
0x5a: {  	_ =	shalt  }
0x5b: {  	_ =	shalt  }
0x5c: {  	_ =	shalt  }
0x5d: {  	_ =	shalt  }
0x5e: {  	_ =	shalt  }
0x5f: {  	_ =	shalt  }
0x60: {  	_ =	shalt  }
0x61: {  	_ =	shalt  }
0x62: {  	_ =	shalt  }
0x63: {  	_ =	shalt  }
0x64: {  	_ =	shalt  }
0x65: {  	_ =	shalt  }
0x66: {  	_ =	shalt  }
0x67: {  	_ =	shalt  }
0x68: {  	_ =	shalt  }
0x69: {  	_ =	shalt  }
0x6a: {  	_ =	shalt  }
0x6b: {  	_ =	shalt  }
0x6c: {  	_ =	shalt  }
0x6d: {  	_ =	shalt  }
0x6e: {  	_ =	shalt  }
0x6f: {  	_ =	shalt  }
0x70: {  	_ =	shalt  }
0x71: {  	_ =	shalt  }
0x72: {  	_ =	shalt  }
0x73: {  	_ =	shalt  }
0x74: {  	_ =	shalt  }
0x75: {  	_ =	shalt  }
0x76: {  	_ =	shalt  }
0x77: {  	_ =	shalt  }
0x78: {  	_ =	shalt  }
0x79: {  	_ =	shalt  }
0x7a: {  	_ =	shalt  }
0x7b: {  	_ =	shalt  }
0x7c: {  	_ =	shalt  }
0x7d: {  	_ =	shalt  }
0x7e: {  	_ =	shalt  }
0x7f: {  	_ =	shalt  }
0x80: {  	_ =	shalt  }
0x81: {  	_ =	shalt  }
0x82: {  	_ =	shalt  }
0x83: {  	_ =	shalt  }
0x84: {  	_ =	shalt  }
0x85: {  	_ =	shalt  }
0x86: {  	_ =	shalt  }
0x87: {  	_ =	shalt  }
.Lfunc_end0:
.L_simem_size_0:
called_computation_lowered:
.L_overlay_start_0:
0x88: {  	s0 =	sld [smem:$0x3FD9]  }
0x89: {  	s1 =	sld [smem:$0x3FFE];
	_ =	sdelay $0x1  }
0x8a: {  	s2 =	srdreg.scid  }
0x8b: {  	s3 =	sand.u32 $0x1, s2  }
0x8c: {  	s24 =	sshll.u32 s3, $0xA;
	s0 =	sadd.s32 s1, s0  }
0x8d: {  	s0 =	sadd.s32 s0, s24  }
0x8e: {  	s25 =	simm.s32 $0x0;
	[smem:$0x3FC6] =	sst s0  }
0x8f: {  	[smem:$0xF] =	sst s25  }
0x90: {  	s0 =	sld [smem:$0x3FD0];
	(tm) =	ssettm $0x1  }
0x91: {  	s26 =	sld [smem:$0x3FFB];
	_ =	sdelay $0x3  }
0x92: {  	_ =	strace s26  }
0x93: {  	s1 =	sld [smem:$0x3FFC];
	_ =	sdelay $0x3  }
0x94: {  	_ =	strace s1  }
0x95: {  	s1 =	sld [smem:$0x3FFD];
	_ =	sdelay $0x3  }
0x96: {  	_ =	strace s1  }
0x97: {  	s28 =	simm.s32 $0x1B8B;
	_ =	strace $0x8FFFFFFF  }
0x98: {  	_ =	swait.ge [sflag:s28], $0x1  }
0x99: {  	s4 =	sld [smem:$0x3FFE]  }
0x9a: {  	p0 =	seq.s32 s3, $0x1  }
0x9b: {  	s29 =	simm.s32 $0x1B8E;
	s6 =	simm.s32 @p0 $0x1;
	[sflag:s28] =	ssyncset.done $0x0  }
0x9c: {  	s7 =	simm.s32 @p0 $0x10;
	s8 =	simm.s32 @p0 $0x40;
	[sflag:s28] =	ssyncadd.s32 $0xFFFFFFFF  }
0x9d: {  	s9 =	simm.s32 @p0 $0x9;
	[smem:$0x3FD2] =	sst s29;
	s1 =	sadd.s32 $0xA00, s4  }
0x9e: {  	_ =	strace $0x80000046;
	s5 =	sadd.s32 $0x4600, s4;
	s1 =	sadd.s32 @p0 $0x20, s1  }
0x9f: {  	[hbm:s5@s7], [sflag:s9] =	dma.strided @p0 [hbm:s1@s8], $0xC00, s6, $0x10   }
0xa0: {  	_ =	swait.ge @p0 [sflag:s9], $0xC00  }
0xa1: {  	s0 =	sadd.s32 @!p0 $0x20, s0;
	[sflag:s9] =	ssyncset.done @p0 $0x0  }
0xa2: {  	s1 =	sadd.s32 $0x3A00, s4;
	s4 =	simm.s32 @!p0 $0x1;
	[sflag:s9] =	ssyncadd.s32 @p0 $0xFFFFF400  }
0xa3: {  	s5 =	simm.s32 @!p0 $0x10;
	s6 =	simm.s32 @!p0 $0x40;
	s7 =	simm.s32 @!p0 $0xA  }
0xa4: {  	[hbm:s1@s5], [sflag:s7] =	dma.strided @!p0 [hbm:s0@s6], $0xC00, s4, $0x10   }
0xa5: {  	_ =	swait.ge @!p0 [sflag:s7], $0xC00  }
0xa6: {  	[sflag:s7] =	ssyncset.done @!p0 $0x0  }
0xa7: {  	[sflag:s7] =	ssyncadd.s32 @!p0 $0xFFFFF400  }
0xa8: {  	_ =	strace $0x90000046  }
0xa9: {  	_ =	sfence  }
0xaa: {  	s30 =	sld [smem:$0x0];
	_ =	sdelay $0x2  }
0xab: {  	s31 =	sshll.u32 s2, $0xD;
	s2 =	sshrl.u32 s2, $0x2  }
0xac: {  	s1 =	sand.u32 $0x4000, s31;
	s0 =	sadd.s32 s2, s30  }
0xad: {  	s1 =	sor.u32 s1, s3;
	s0 =	sshll.u32 s0, $0x11  }
0xae: {  	s0 =	sor.u32 s0, s1  }
0xaf: {  	s0 =	sadd.s32 $0x8F2B, s0;
	(pc) =	sbr.abs _section_cstart, $3  }
0xb0: {  	[sflag:s0] =	ssyncadd.remote.s32 $0x1  }
0xb1: {  	_ =	strace $0x9FFFFFFF  }
0xb2: {  	(tm) =	ssettm $0x7FFFFFFF  }
0xb3: {  	_ =	shalt  }

</sc_bundles>
